<compile_context>
chip_gen: v7x
topology: tpu7x:2x2x1
jax: 0.10.2.dev20260603
libtpu: 0.0.44.dev20260713+nightly
codegen_flags: <defaults>
</compile_context>

<pallas_src>
import functools

import jax
import jax.numpy as jnp
from jax import lax
from jax.experimental import pallas as pl
from jax.experimental.pallas import tpu as pltpu
from jax.experimental.pallas import tpu_sc as plsc

N_NODES = 10000
D_IN = 128
HID = 64
NC = 2
NS = 16
NW = NC * NS
CH = 128
BM = 2000
NROWS = 10240
RPT = NROWS // NS

_MESH = plsc.VectorSubcoreMesh(core_axis_name="c", subcore_axis_name="s")
_SC_PARAMS = pltpu.CompilerParams(use_tc_tiling_on_sc=False)



@functools.partial(jax.jit, static_argnums=(2,))
def _sc_deg(edges3, zeros1, nch):

    @functools.partial(
        pl.kernel,
        mesh=_MESH,
        out_type=jax.ShapeDtypeStruct((NC, NROWS), jnp.float32),
        compiler_params=_SC_PARAMS,
        scratch_types=[
            pltpu.VMEM((nch, CH), jnp.int32),
            pltpu.VMEM((CH,), jnp.float32),
            pltpu.VMEM_SHARED((NROWS,), jnp.float32),
            pltpu.SemaphoreType.DMA,
            pltpu.SemaphoreType.DMA,
        ],
    )
    def deg_kernel(edges_hbm, zeros_hbm, out_hbm, dstv, ones_v, acc, sd, zsem):
        c = lax.axis_index("c")
        s = lax.axis_index("s")
        w = c * NS + s
        pltpu.async_copy(zeros_hbm.at[pl.ds(s * RPT, RPT)],
                         acc.at[pl.ds(s * RPT, RPT)], zsem)
        pltpu.sync_copy(edges_hbm.at[w, 1], dstv)
        for i in range(CH // 16):
            ones_v[pl.ds(i * 16, 16)] = jnp.ones((16,), jnp.float32)
        pltpu.make_async_copy(zeros_hbm.at[pl.ds(0, RPT)],
                              acc.at[pl.ds(0, RPT)], zsem).wait()
        plsc.subcore_barrier()

        lag = 8

        def fire(j, carry):
            pltpu.async_copy(ones_v, acc.at[dstv.at[j]], sd, add=True)

            @pl.when(j >= lag)
            def _():
                pltpu.make_async_copy(ones_v, acc.at[dstv.at[0]], sd).wait()

            return carry

        lax.fori_loop(0, nch, fire, 0)

        def drain(j, carry):
            pltpu.make_async_copy(ones_v, acc.at[dstv.at[0]], sd).wait()
            return carry

        lax.fori_loop(0, min(lag, nch), drain, 0)
        plsc.subcore_barrier()
        pltpu.sync_copy(acc.at[pl.ds(s * RPT, RPT)],
                        out_hbm.at[c, pl.ds(s * RPT, RPT)])

    return deg_kernel(edges3, zeros1)


@functools.partial(jax.jit, static_argnums=(3,))
def _sc_agg(edges3, y, zeros2, nch):

    @functools.partial(
        pl.kernel,
        mesh=_MESH,
        out_type=jax.ShapeDtypeStruct((NC, NROWS, HID), jnp.float32),
        compiler_params=_SC_PARAMS,
        scratch_types=[
            pltpu.VMEM((2, nch, CH), jnp.int32),
            pltpu.VMEM((4, CH, HID), jnp.float32),
            pltpu.VMEM_SHARED((NROWS, HID), jnp.float32),
            [pltpu.SemaphoreType.DMA] * 4,
            [pltpu.SemaphoreType.DMA] * 4,
            pltpu.SemaphoreType.DMA,
        ],
    )
    def agg_kernel(edges_hbm, y_hbm, zeros_hbm, out_hbm,
                   idxv, rows, acc, gsem, ssem, zsem):
        c = lax.axis_index("c")
        s = lax.axis_index("s")
        w = c * NS + s
        srcv = idxv.at[0]
        dstv = idxv.at[1]
        pltpu.async_copy(zeros_hbm.at[pl.ds(s * RPT, RPT)],
                         acc.at[pl.ds(s * RPT, RPT)], zsem)
        pltpu.sync_copy(edges_hbm.at[w], idxv)

        nk = (nch - 1) // 4

        def wait_g(b):
            pltpu.make_async_copy(y_hbm.at[pl.ds(0, CH)], rows.at[b], gsem[b]).wait()

        def wait_s(b):
            pltpu.make_async_copy(rows.at[b], acc.at[dstv.at[0]], ssem[b]).wait()

        for b in range(3):
            pltpu.async_copy(y_hbm.at[srcv.at[b]], rows.at[b], gsem[b])
        pltpu.make_async_copy(zeros_hbm.at[pl.ds(0, RPT)],
                              acc.at[pl.ds(0, RPT)], zsem).wait()
        plsc.subcore_barrier()

        def step(k, carry):
            j0 = 4 * k
            for p in range(4):
                j = j0 + p
                nb = (p + 3) % 4

                @pl.when(j >= 1)
                def _():
                    wait_s(nb)

                @pl.when(j + 3 <= nch - 1)
                def _():
                    pltpu.async_copy(y_hbm.at[srcv.at[j + 3]], rows.at[nb], gsem[nb])

                wait_g(p)
                pltpu.async_copy(rows.at[p], acc.at[dstv.at[j]], ssem[p], add=True)
            return carry

        lax.fori_loop(0, nk, step, 0)
        wait_g(0)
        pltpu.async_copy(rows.at[0], acc.at[dstv.at[nch - 1]], ssem[0], add=True)
        wait_s(3)
        wait_s(0)
        plsc.subcore_barrier()
        pltpu.sync_copy(acc.at[pl.ds(s * RPT, RPT)],
                        out_hbm.at[c, pl.ds(s * RPT, RPT)])

    return agg_kernel(edges3, y, zeros2)



def _dinv_block(degt_ref):
    deg = degt_ref[:, 0] + degt_ref[:, 1] + 1.0
    return lax.rsqrt(deg)[:, None]


def _t1a_body(x_ref, w_ref, xw_ref):
    xw_ref[...] = jnp.dot(
        x_ref[...], w_ref[...], preferred_element_type=jnp.float32)


def _t1a(x, W1):
    return pl.pallas_call(
        _t1a_body,
        grid=(N_NODES // BM,),
        in_specs=[
            pl.BlockSpec((BM, D_IN), lambda i: (i, 0)),
            pl.BlockSpec((D_IN, HID), lambda i: (0, 0)),
        ],
        out_specs=pl.BlockSpec((BM, HID), lambda i: (i, 0)),
        out_shape=jax.ShapeDtypeStruct((N_NODES, HID), jnp.float32),
    )(x, W1)


def _t1b_body(xw_ref, degt_ref, y_ref):
    y_ref[...] = xw_ref[...] * _dinv_block(degt_ref)


def _t1b(xw, degt):
    return pl.pallas_call(
        _t1b_body,
        grid=(N_NODES // BM,),
        in_specs=[
            pl.BlockSpec((BM, HID), lambda i: (i, 0)),
            pl.BlockSpec((BM, 2), lambda i: (i, 0)),
        ],
        out_specs=pl.BlockSpec((BM, HID), lambda i: (i, 0)),
        out_shape=jax.ShapeDtypeStruct((N_NODES, HID), jnp.float32),
    )(xw, degt)


def _t23_body(accp_ref, y_ref, b_ref, w_ref, degt_ref, yo_ref):
    dinv = _dinv_block(degt_ref)
    h = jnp.maximum(
        (accp_ref[0] + accp_ref[1] + y_ref[...]) * dinv + b_ref[...], 0.0)
    yo_ref[...] = jnp.dot(
        h, w_ref[...], preferred_element_type=jnp.float32) * dinv


def _t23(accp, y, b_row, W, degt):
    return pl.pallas_call(
        _t23_body,
        grid=(N_NODES // BM,),
        in_specs=[
            pl.BlockSpec((NC, BM, HID), lambda i: (0, i, 0)),
            pl.BlockSpec((BM, HID), lambda i: (i, 0)),
            pl.BlockSpec((1, HID), lambda i: (0, 0)),
            pl.BlockSpec((HID, HID), lambda i: (0, 0)),
            pl.BlockSpec((BM, 2), lambda i: (i, 0)),
        ],
        out_specs=pl.BlockSpec((BM, HID), lambda i: (i, 0)),
        out_shape=jax.ShapeDtypeStruct((N_NODES, HID), jnp.float32),
    )(accp, y, b_row, W, degt)


def _t4_body(accp_ref, y_ref, b_ref, degt_ref, wp1_ref, bp1_ref,
             wp2_ref, bp2_ref, o_ref):
    dinv = _dinv_block(degt_ref)
    h = jnp.maximum(
        (accp_ref[0] + accp_ref[1] + y_ref[...]) * dinv + b_ref[...], 0.0)
    t = jnp.maximum(
        jnp.dot(h, wp1_ref[...], preferred_element_type=jnp.float32)
        + bp1_ref[...], 0.0)
    o_ref[...] = jnp.dot(
        t, wp2_ref[...], preferred_element_type=jnp.float32) + bp2_ref[...]


def _t4(accp, y, b_row, degt, Wp1, bp1_row, Wp2, bp2_row):
    return pl.pallas_call(
        _t4_body,
        grid=(N_NODES // BM,),
        in_specs=[
            pl.BlockSpec((NC, BM, HID), lambda i: (0, i, 0)),
            pl.BlockSpec((BM, HID), lambda i: (i, 0)),
            pl.BlockSpec((1, HID), lambda i: (0, 0)),
            pl.BlockSpec((BM, 2), lambda i: (i, 0)),
            pl.BlockSpec((HID, HID // 2), lambda i: (0, 0)),
            pl.BlockSpec((1, HID // 2), lambda i: (0, 0)),
            pl.BlockSpec((HID // 2, 1), lambda i: (0, 0)),
            pl.BlockSpec((1, 1), lambda i: (0, 0)),
        ],
        out_specs=pl.BlockSpec((BM, 1), lambda i: (i, 0)),
        out_shape=jax.ShapeDtypeStruct((N_NODES, 1), jnp.float32),
    )(accp, y, b_row, degt, Wp1, bp1_row, Wp2, bp2_row)



def kernel(x, edge_index, batch, W1, b1, W2, b2, W3, b3, Wp1, bp1, Wp2, bp2):
    E = edge_index.shape[1]
    ept = -(-E // NW)
    nch = -(-ept // CH)
    while nch % 4 != 1:
        nch += 1
    pad = NW * nch * CH - E
    pad_iota = jnp.arange(pad, dtype=jnp.int32)
    src = jnp.concatenate([edge_index[0], pad_iota % N_NODES])
    dst = jnp.concatenate(
        [edge_index[1], N_NODES + pad_iota % (NROWS - N_NODES)])
    edges3 = jnp.stack(
        [src.reshape(NW, nch, CH), dst.reshape(NW, nch, CH)], axis=1)
    zeros1 = jnp.zeros((NROWS,), jnp.float32)
    zeros2 = jnp.zeros((NROWS, HID), jnp.float32)

    xw1 = _t1a(x, W1)
    degp = _sc_deg(edges3, zeros1, nch)
    degt = degp.T

    y1 = _t1b(xw1, degt)
    a1 = _sc_agg(edges3, y1, zeros2, nch)
    y2 = _t23(a1, y1, b1[None], W2, degt)
    a2 = _sc_agg(edges3, y2, zeros2, nch)
    y3 = _t23(a2, y2, b2[None], W3, degt)
    a3 = _sc_agg(edges3, y3, zeros2, nch)
    return _t4(a3, y3, b3[None], degt, Wp1, bp1[None], Wp2, bp2[None])

# --- scband reference (transcript-rebuilt; emitter-appended) ---
"""Pipeline reference for scband-pdprediction-gnn-8624294331203 (READ-ONLY COPY).

The authoritative reference and input builder live on the scoring server;
editing this copy changes nothing except your own understanding.
"""

import jax, jax.numpy as jnp
import numpy as np

N = 10000
E = 640000
D_IN = 128
H = 64


def setup_inputs(seed: int = 0) -> dict:
    key = jax.random.key(seed)
    ks = jax.random.split(key, 16)
    x = jax.random.normal(ks[0], (N, D_IN), dtype=jnp.float32)
    edge_index = jax.random.randint(ks[1], (2, E), 0, N, dtype=jnp.int32)
    batch = jnp.zeros((N,), dtype=jnp.int32)
    # GCN layer weights (PyG GCNConv: y = norm_adj @ (x @ W) + b)
    W1 = jax.random.normal(ks[2], (D_IN, H), dtype=jnp.float32) * (1.0 / np.sqrt(D_IN))
    b1 = jnp.zeros((H,), dtype=jnp.float32)
    W2 = jax.random.normal(ks[3], (H, H), dtype=jnp.float32) * (1.0 / np.sqrt(H))
    b2 = jnp.zeros((H,), dtype=jnp.float32)
    W3 = jax.random.normal(ks[4], (H, H), dtype=jnp.float32) * (1.0 / np.sqrt(H))
    b3 = jnp.zeros((H,), dtype=jnp.float32)
    # predictor: Linear(H, H//2) -> ReLU -> Dropout -> Linear(H//2, 1)
    Wp1 = jax.random.normal(ks[5], (H, H // 2), dtype=jnp.float32) * (1.0 / np.sqrt(H))
    bp1 = jnp.zeros((H // 2,), dtype=jnp.float32)
    Wp2 = jax.random.normal(ks[6], (H // 2, 1), dtype=jnp.float32) * (1.0 / np.sqrt(H // 2))
    bp2 = jnp.zeros((1,), dtype=jnp.float32)
    return {"x": x, "edge_index": edge_index, "batch": batch,
            "W1": W1, "b1": b1, "W2": W2, "b2": b2, "W3": W3, "b3": b3,
            "Wp1": Wp1, "bp1": bp1, "Wp2": Wp2, "bp2": bp2}


def _gcn_conv(x, src, dst, W, b, n):
    # symmetric-normalized GCN aggregation with self-loops already in (src, dst)
    xw = x @ W
    deg = jnp.zeros((n,), dtype=x.dtype).at[dst].add(1.0)
    dinv = jnp.where(deg > 0, 1.0 / jnp.sqrt(deg), 0.0)
    norm = dinv[src] * dinv[dst]
    msg = xw[src] * norm[:, None]
    out = jax.ops.segment_sum(msg, dst, num_segments=n)
    return out + b


def reference(x, edge_index, batch, W1, b1, W2, b2, W3, b3, Wp1, bp1, Wp2, bp2):
    n = x.shape[0]
    loop = jnp.arange(n, dtype=edge_index.dtype)
    src = jnp.concatenate([edge_index[0], loop])
    dst = jnp.concatenate([edge_index[1], loop])
    h = jax.nn.relu(_gcn_conv(x, src, dst, W1, b1, n))
    # dropout is identity in eval mode
    h = jax.nn.relu(_gcn_conv(h, src, dst, W2, b2, n))
    h = jax.nn.relu(_gcn_conv(h, src, dst, W3, b3, n))
    h = jax.nn.relu(h @ Wp1 + bp1)
    out = h @ Wp2 + bp2
    return out

if __name__ == "__main__":
    import jax
    _d = setup_inputs()
    print(jax.jit(kernel)(*tuple(_d.values())))

</pallas_src>

<mosaic_0001>
#map = affine_map<(d0, d1) -> (0, 0, 0, 0)>
#map1 = affine_map<(d0, d1) -> (0)>
#map2 = affine_map<(d0, d1) -> (0, 0)>
module attributes {stable_mosaic.version = 14 : i64} {
  func.func @deg_kernel(%arg0: i32, %arg1: i32, %arg2: memref<32x2x157x128xi32, #tpu.memory_space<hbm>>, %arg3: memref<10240xf32, #tpu.memory_space<hbm>>, %arg4: memref<2x10240xf32, #tpu.memory_space<hbm>>, %arg5: memref<157x128xi32, #tpu.memory_space<vmem>>, %arg6: memref<128xf32, #tpu.memory_space<vmem>>, %arg7: memref<10240xf32, #tpu.memory_space<vmem_shared>>, %arg8: memref<!tpu.dma_semaphore, #tpu.memory_space<semaphore_mem>>, %arg9: memref<!tpu.dma_semaphore, #tpu.memory_space<semaphore_mem>>) attributes {dimension_semantics = [#tpu.dimension_semantics<core_parallel>, #tpu.dimension_semantics<subcore_parallel>], iteration_bounds = array<i64: 2, 16>, scalar_prefetch = 0 : i64, scratch_operands = 5 : i64, tpu.core_type = #tpu.core_type<sc_vector_subcore>, window_params = [{transform_indices = #map}, {transform_indices = #map1}, {transform_indices = #map2}]} {
    %mul3A = arith.constant 16 : i32
    %mul3A_0 = arith.muli %arg0, %mul3A : i32
    %add3A = arith.addi %mul3A_0, %arg1 : i32
    %mul3A_1 = arith.constant 640 : i32
    %mul3A_2 = arith.muli %arg1, %mul3A_1 : i32
    %mul3A_3 = arith.constant 640 : i32
    %mul3A_4 = arith.muli %arg1, %mul3A_3 : i32
    %dma_start3A = tpu.memref_slice %arg7[%mul3A_4] : memref<10240xf32, #tpu.memory_space<vmem_shared>> -> memref<640xf32, #tpu.memory_space<vmem_shared>>
    %dma_start3A_5 = tpu.memref_slice %arg3[%mul3A_2] : memref<10240xf32, #tpu.memory_space<hbm>> -> memref<640xf32, #tpu.memory_space<hbm>>
    tpu.enqueue_dma source(%dma_start3A_5 : memref<640xf32, #tpu.memory_space<hbm>>) target(%dma_start3A : memref<640xf32, #tpu.memory_space<vmem_shared>>) target_semaphore(%arg9 : memref<!tpu.dma_semaphore, #tpu.memory_space<semaphore_mem>>)
    %run_scoped3A = arith.constant 1 : i32
    "tpu.region"() ({
      %run_scoped3A_71 = tpu.sem_alloc : memref<!tpu.dma_semaphore, #tpu.memory_space<semaphore_mem>>
      %dma_start3A_72 = arith.constant 0 : i32
      %dma_start3A_73 = arith.constant 0 : i32
      %dma_start3A_74 = tpu.memref_slice %arg2[%add3A, %run_scoped3A, %dma_start3A_72, %dma_start3A_73] : memref<32x2x157x128xi32, #tpu.memory_space<hbm>> -> memref<1x1x157x128xi32, #tpu.memory_space<hbm>>
      %dma_start3A_75 = tpu.memref_squeeze %dma_start3A_74 : memref<1x1x157x128xi32, #tpu.memory_space<hbm>> -> memref<157x128xi32, #tpu.memory_space<hbm>>
      %dma_start3A_76 = arith.constant 0 : i32
      %dma_start3A_77 = arith.constant 0 : i32
      %dma_start3A_78 = tpu.memref_slice %arg2[%add3A, %run_scoped3A, %dma_start3A_76, %dma_start3A_77] : memref<32x2x157x128xi32, #tpu.memory_space<hbm>> -> memref<1x1x157x128xi32, #tpu.memory_space<hbm>>
      %dma_start3A_79 = tpu.memref_squeeze %dma_start3A_78 : memref<1x1x157x128xi32, #tpu.memory_space<hbm>> -> memref<157x128xi32, #tpu.memory_space<hbm>>
      tpu.enqueue_dma source(%dma_start3A_79 : memref<157x128xi32, #tpu.memory_space<hbm>>) target(%arg5 : memref<157x128xi32, #tpu.memory_space<vmem>>) target_semaphore(%run_scoped3A_71 : memref<!tpu.dma_semaphore, #tpu.memory_space<semaphore_mem>>)
      %dma_wait3A_80 = arith.constant 0 : i32
      %dma_wait3A_81 = arith.constant 0 : i32
      %dma_wait3A_82 = tpu.memref_slice %arg2[%add3A, %run_scoped3A, %dma_wait3A_80, %dma_wait3A_81] : memref<32x2x157x128xi32, #tpu.memory_space<hbm>> -> memref<1x1x157x128xi32, #tpu.memory_space<hbm>>
      %dma_wait3A_83 = tpu.memref_squeeze %dma_wait3A_82 : memref<1x1x157x128xi32, #tpu.memory_space<hbm>> -> memref<157x128xi32, #tpu.memory_space<hbm>>
      %dma_wait3A_84 = arith.constant 0 : i32
      %dma_wait3A_85 = arith.constant 0 : i32
      %dma_wait3A_86 = tpu.memref_slice %arg2[%add3A, %run_scoped3A, %dma_wait3A_84, %dma_wait3A_85] : memref<32x2x157x128xi32, #tpu.memory_space<hbm>> -> memref<1x1x157x128xi32, #tpu.memory_space<hbm>>
      %dma_wait3A_87 = tpu.memref_squeeze %dma_wait3A_86 : memref<1x1x157x128xi32, #tpu.memory_space<hbm>> -> memref<157x128xi32, #tpu.memory_space<hbm>>
      tpu.wait_dma2 semaphore(%run_scoped3A_71 : memref<!tpu.dma_semaphore, #tpu.memory_space<semaphore_mem>>) src(%dma_wait3A_87 : memref<157x128xi32, #tpu.memory_space<hbm>>) dst(%arg5 : memref<157x128xi32, #tpu.memory_space<vmem>>)
      tpu.yield
    }) : () -> ()
    %broadcast_in_dim3A = arith.constant 1.000000e+00 : f32
    %broadcast_in_dim3A_6 = vector.broadcast %broadcast_in_dim3A : f32 to vector<16xf32>
    %swap3A = arith.constant 0 : index
    %swap3A_7 = tpu.vector_load %arg6[%swap3A] {strides = array<i32>} : memref<128xf32, #tpu.memory_space<vmem>>, vector<16xf32>,
    %swap3A_8 = vector.shape_cast %swap3A_7 : vector<16xf32> to vector<16xf32>
    %swap3A_9 = vector.shape_cast %broadcast_in_dim3A_6 : vector<16xf32> to vector<16xf32>
    tpu.vector_store %arg6[%swap3A], %swap3A_9 {strides = array<i32>} : memref<128xf32, #tpu.memory_space<vmem>>, vector<16xf32>,
    %broadcast_in_dim3A_10 = arith.constant 1.000000e+00 : f32
    %broadcast_in_dim3A_11 = vector.broadcast %broadcast_in_dim3A_10 : f32 to vector<16xf32>
    %swap3A_12 = arith.constant 16 : index
    %swap3A_13 = tpu.vector_load %arg6[%swap3A_12] {strides = array<i32>} : memref<128xf32, #tpu.memory_space<vmem>>, vector<16xf32>,
    %swap3A_14 = vector.shape_cast %swap3A_13 : vector<16xf32> to vector<16xf32>
    %swap3A_15 = vector.shape_cast %broadcast_in_dim3A_11 : vector<16xf32> to vector<16xf32>
    tpu.vector_store %arg6[%swap3A_12], %swap3A_15 {strides = array<i32>} : memref<128xf32, #tpu.memory_space<vmem>>, vector<16xf32>,
    %broadcast_in_dim3A_16 = arith.constant 1.000000e+00 : f32
    %broadcast_in_dim3A_17 = vector.broadcast %broadcast_in_dim3A_16 : f32 to vector<16xf32>
    %swap3A_18 = arith.constant 32 : index
    %swap3A_19 = tpu.vector_load %arg6[%swap3A_18] {strides = array<i32>} : memref<128xf32, #tpu.memory_space<vmem>>, vector<16xf32>,
    %swap3A_20 = vector.shape_cast %swap3A_19 : vector<16xf32> to vector<16xf32>
    %swap3A_21 = vector.shape_cast %broadcast_in_dim3A_17 : vector<16xf32> to vector<16xf32>
    tpu.vector_store %arg6[%swap3A_18], %swap3A_21 {strides = array<i32>} : memref<128xf32, #tpu.memory_space<vmem>>, vector<16xf32>,
    %broadcast_in_dim3A_22 = arith.constant 1.000000e+00 : f32
    %broadcast_in_dim3A_23 = vector.broadcast %broadcast_in_dim3A_22 : f32 to vector<16xf32>
    %swap3A_24 = arith.constant 48 : index
    %swap3A_25 = tpu.vector_load %arg6[%swap3A_24] {strides = array<i32>} : memref<128xf32, #tpu.memory_space<vmem>>, vector<16xf32>,
    %swap3A_26 = vector.shape_cast %swap3A_25 : vector<16xf32> to vector<16xf32>
    %swap3A_27 = vector.shape_cast %broadcast_in_dim3A_23 : vector<16xf32> to vector<16xf32>
    tpu.vector_store %arg6[%swap3A_24], %swap3A_27 {strides = array<i32>} : memref<128xf32, #tpu.memory_space<vmem>>, vector<16xf32>,
    %broadcast_in_dim3A_28 = arith.constant 1.000000e+00 : f32
    %broadcast_in_dim3A_29 = vector.broadcast %broadcast_in_dim3A_28 : f32 to vector<16xf32>
    %swap3A_30 = arith.constant 64 : index
    %swap3A_31 = tpu.vector_load %arg6[%swap3A_30] {strides = array<i32>} : memref<128xf32, #tpu.memory_space<vmem>>, vector<16xf32>,
    %swap3A_32 = vector.shape_cast %swap3A_31 : vector<16xf32> to vector<16xf32>
    %swap3A_33 = vector.shape_cast %broadcast_in_dim3A_29 : vector<16xf32> to vector<16xf32>
    tpu.vector_store %arg6[%swap3A_30], %swap3A_33 {strides = array<i32>} : memref<128xf32, #tpu.memory_space<vmem>>, vector<16xf32>,
    %broadcast_in_dim3A_34 = arith.constant 1.000000e+00 : f32
    %broadcast_in_dim3A_35 = vector.broadcast %broadcast_in_dim3A_34 : f32 to vector<16xf32>
    %swap3A_36 = arith.constant 80 : index
    %swap3A_37 = tpu.vector_load %arg6[%swap3A_36] {strides = array<i32>} : memref<128xf32, #tpu.memory_space<vmem>>, vector<16xf32>,
    %swap3A_38 = vector.shape_cast %swap3A_37 : vector<16xf32> to vector<16xf32>
    %swap3A_39 = vector.shape_cast %broadcast_in_dim3A_35 : vector<16xf32> to vector<16xf32>
    tpu.vector_store %arg6[%swap3A_36], %swap3A_39 {strides = array<i32>} : memref<128xf32, #tpu.memory_space<vmem>>, vector<16xf32>,
    %broadcast_in_dim3A_40 = arith.constant 1.000000e+00 : f32
    %broadcast_in_dim3A_41 = vector.broadcast %broadcast_in_dim3A_40 : f32 to vector<16xf32>
    %swap3A_42 = arith.constant 96 : index
    %swap3A_43 = tpu.vector_load %arg6[%swap3A_42] {strides = array<i32>} : memref<128xf32, #tpu.memory_space<vmem>>, vector<16xf32>,
    %swap3A_44 = vector.shape_cast %swap3A_43 : vector<16xf32> to vector<16xf32>
    %swap3A_45 = vector.shape_cast %broadcast_in_dim3A_41 : vector<16xf32> to vector<16xf32>
    tpu.vector_store %arg6[%swap3A_42], %swap3A_45 {strides = array<i32>} : memref<128xf32, #tpu.memory_space<vmem>>, vector<16xf32>,
    %broadcast_in_dim3A_46 = arith.constant 1.000000e+00 : f32
    %broadcast_in_dim3A_47 = vector.broadcast %broadcast_in_dim3A_46 : f32 to vector<16xf32>
    %swap3A_48 = arith.constant 112 : index
    %swap3A_49 = tpu.vector_load %arg6[%swap3A_48] {strides = array<i32>} : memref<128xf32, #tpu.memory_space<vmem>>, vector<16xf32>,
    %swap3A_50 = vector.shape_cast %swap3A_49 : vector<16xf32> to vector<16xf32>
    %swap3A_51 = vector.shape_cast %broadcast_in_dim3A_47 : vector<16xf32> to vector<16xf32>
    tpu.vector_store %arg6[%swap3A_48], %swap3A_51 {strides = array<i32>} : memref<128xf32, #tpu.memory_space<vmem>>, vector<16xf32>,
    %dma_wait3A = arith.constant 0 : i32
    %dma_wait3A_52 = tpu.memref_slice %arg7[%dma_wait3A] : memref<10240xf32, #tpu.memory_space<vmem_shared>> -> memref<640xf32, #tpu.memory_space<vmem_shared>>
    %dma_wait3A_53 = arith.constant 0 : i32
    %dma_wait3A_54 = tpu.memref_slice %arg3[%dma_wait3A_53] : memref<10240xf32, #tpu.memory_space<hbm>> -> memref<640xf32, #tpu.memory_space<hbm>>
    tpu.wait_dma2 semaphore(%arg9 : memref<!tpu.dma_semaphore, #tpu.memory_space<semaphore_mem>>) src(%dma_wait3A_54 : memref<640xf32, #tpu.memory_space<hbm>>) dst(%dma_wait3A_52 : memref<640xf32, #tpu.memory_space<vmem_shared>>)
    %barrier3A = arith.constant 0 : index
    tpu.barrier barrier_id(%barrier3A)
    %scan3A = arith.constant 0 : i32
    %scan3A_55 = arith.constant 0 : i32
    %scan3A_56 = arith.constant 157 : i32
    %scan3A_57 = arith.addi %scan3A_55, %scan3A_56 : i32
    %scan3A_58 = arith.constant 1 : i32
    scf.for %scan3A_71 = %scan3A_55 to %scan3A_57 step %scan3A_58  : i32 {
      %dma_start3A_72 = arith.constant 0 : i32
      %dma_start3A_73 = tpu.memref_slice %arg5[%scan3A_71, %dma_start3A_72] : memref<157x128xi32, #tpu.memory_space<vmem>> -> memref<1x128xi32, #tpu.memory_space<vmem>>
      %dma_start3A_74 = tpu.memref_squeeze %dma_start3A_73 : memref<1x128xi32, #tpu.memory_space<vmem>> -> memref<128xi32, #tpu.memory_space<vmem>>
      %dma_start3A_75 = arith.constant 0 : i32
      %dma_start3A_76 = tpu.memref_slice %arg7[%dma_start3A_75] : memref<10240xf32, #tpu.memory_space<vmem_shared>> -> memref<10240xf32, #tpu.memory_space<vmem_shared>>
      tpu.enqueue_indirect_dma source(%arg6 : memref<128xf32, #tpu.memory_space<vmem>>) target(%dma_start3A_76 : memref<10240xf32, #tpu.memory_space<vmem_shared>>) offsets(%dma_start3A_74 : memref<128xi32, #tpu.memory_space<vmem>>) semaphore(%arg8 : memref<!tpu.dma_semaphore, #tpu.memory_space<semaphore_mem>>) {add = true}
      %ge3A = arith.constant 8 : i32
      %ge3A_77 = arith.cmpi sge, %scan3A_71, %ge3A : i32
      %convert_element_type3A = arith.extui %ge3A_77 : i1 to i32
      %cond3A = arith.constant 0 : i32
      %cond3A_78 = arith.cmpi ne, %convert_element_type3A, %cond3A : i32
      scf.if %cond3A_78 {
        %dma_wait3A_79 = arith.constant 0 : i32
        %dma_wait3A_80 = arith.constant 0 : i32
        %dma_wait3A_81 = tpu.memref_slice %arg5[%dma_wait3A_79, %dma_wait3A_80] : memref<157x128xi32, #tpu.memory_space<vmem>> -> memref<1x128xi32, #tpu.memory_space<vmem>>
        %dma_wait3A_82 = tpu.memref_squeeze %dma_wait3A_81 : memref<1x128xi32, #tpu.memory_space<vmem>> -> memref<128xi32, #tpu.memory_space<vmem>>
        %dma_wait3A_83 = arith.constant 0 : i32
        %dma_wait3A_84 = tpu.memref_slice %arg7[%dma_wait3A_83] : memref<10240xf32, #tpu.memory_space<vmem_shared>> -> memref<10240xf32, #tpu.memory_space<vmem_shared>>
        tpu.wait_indirect_dma semaphore(%arg8 : memref<!tpu.dma_semaphore, #tpu.memory_space<semaphore_mem>>) src(%arg6 : memref<128xf32, #tpu.memory_space<vmem>>) dst(%dma_wait3A_84 : memref<10240xf32, #tpu.memory_space<vmem_shared>>)
      } else {
      }
    }
    %scan3A_59 = arith.constant 157 : i32
    %scan3A_60 = arith.constant 0 : i32
    %scan3A_61 = arith.constant 0 : i32
    %scan3A_62 = arith.constant 8 : i32
    %scan3A_63 = arith.addi %scan3A_61, %scan3A_62 : i32
    %scan3A_64 = arith.constant 1 : i32
    scf.for %scan3A_71 = %scan3A_61 to %scan3A_63 step %scan3A_64  : i32 {
      %dma_wait3A_72 = arith.constant 0 : i32
      %dma_wait3A_73 = arith.constant 0 : i32
      %dma_wait3A_74 = tpu.memref_slice %arg5[%dma_wait3A_72, %dma_wait3A_73] : memref<157x128xi32, #tpu.memory_space<vmem>> -> memref<1x128xi32, #tpu.memory_space<vmem>>
      %dma_wait3A_75 = tpu.memref_squeeze %dma_wait3A_74 : memref<1x128xi32, #tpu.memory_space<vmem>> -> memref<128xi32, #tpu.memory_space<vmem>>
      %dma_wait3A_76 = arith.constant 0 : i32
      %dma_wait3A_77 = tpu.memref_slice %arg7[%dma_wait3A_76] : memref<10240xf32, #tpu.memory_space<vmem_shared>> -> memref<10240xf32, #tpu.memory_space<vmem_shared>>
      tpu.wait_indirect_dma semaphore(%arg8 : memref<!tpu.dma_semaphore, #tpu.memory_space<semaphore_mem>>) src(%arg6 : memref<128xf32, #tpu.memory_space<vmem>>) dst(%dma_wait3A_77 : memref<10240xf32, #tpu.memory_space<vmem_shared>>)
    }
    %scan3A_65 = arith.constant 8 : i32
    %barrier3A_66 = arith.constant 0 : index
    tpu.barrier barrier_id(%barrier3A_66)
    %mul3A_67 = arith.constant 640 : i32
    %mul3A_68 = arith.muli %arg1, %mul3A_67 : i32
    %mul3A_69 = arith.constant 640 : i32
    %mul3A_70 = arith.muli %arg1, %mul3A_69 : i32
    "tpu.region"() ({
      %run_scoped3A_71 = tpu.sem_alloc : memref<!tpu.dma_semaphore, #tpu.memory_space<semaphore_mem>>
      %dma_start3A_72 = tpu.memref_slice %arg4[%arg0, %mul3A_70] : memref<2x10240xf32, #tpu.memory_space<hbm>> -> memref<1x640xf32, #tpu.memory_space<hbm>>
      %dma_start3A_73 = tpu.memref_squeeze %dma_start3A_72 : memref<1x640xf32, #tpu.memory_space<hbm>> -> memref<640xf32, #tpu.memory_space<hbm>>
      %dma_start3A_74 = tpu.memref_slice %arg7[%mul3A_68] : memref<10240xf32, #tpu.memory_space<vmem_shared>> -> memref<640xf32, #tpu.memory_space<vmem_shared>>
      tpu.enqueue_dma source(%dma_start3A_74 : memref<640xf32, #tpu.memory_space<vmem_shared>>) target(%dma_start3A_73 : memref<640xf32, #tpu.memory_space<hbm>>) target_semaphore(%run_scoped3A_71 : memref<!tpu.dma_semaphore, #tpu.memory_space<semaphore_mem>>)
      %dma_wait3A_75 = tpu.memref_slice %arg4[%arg0, %mul3A_70] : memref<2x10240xf32, #tpu.memory_space<hbm>> -> memref<1x640xf32, #tpu.memory_space<hbm>>
      %dma_wait3A_76 = tpu.memref_squeeze %dma_wait3A_75 : memref<1x640xf32, #tpu.memory_space<hbm>> -> memref<640xf32, #tpu.memory_space<hbm>>
      %dma_wait3A_77 = tpu.memref_slice %arg7[%mul3A_68] : memref<10240xf32, #tpu.memory_space<vmem_shared>> -> memref<640xf32, #tpu.memory_space<vmem_shared>>
      tpu.wait_dma2 semaphore(%run_scoped3A_71 : memref<!tpu.dma_semaphore, #tpu.memory_space<semaphore_mem>>) src(%dma_wait3A_77 : memref<640xf32, #tpu.memory_space<vmem_shared>>) dst(%dma_wait3A_76 : memref<640xf32, #tpu.memory_space<hbm>>)
      tpu.yield
    }) : () -> ()
    return
  }
}

</mosaic_0001>

<sc_bundles>
// kernel: _sc_deg.3.cloned.1.call-start
scs
__scs_entry_jumppad:
0x0: {  	(pc) =	sbr.rel $0x88, $3  }
0x1: {  	(tag) =	ssettag $0x0;
	lr =	simm.s32 $0x1  }
0x2: {  	[smem:$0x3F9F] =	sst lr;
	_ =	strace $0xD0000000  }
0x3: {  	_ = 	snop  }
0x4: {  	_ = 	snop  }
0x5: {  	_ = 	snop  }
0x6: {  	_ = 	snop  }
0x7: {  	_ = 	snop  }
__scs_overlays_trampoline_lowered:
0x8: {  	[smem:$0x3FAE] =	sst s0  }
0x9: {  	[smem:$0x3FAF] =	sst s1  }
0xa: {  	[smem:$0x3FB0] =	sst s2  }
0xb: {  	[smem:$0x3FB1] =	sst s3  }
0xc: {  	[smem:$0x3FB2] =	sst s4  }
0xd: {  	[smem:$0x3FB3] =	sst s5  }
0xe: {  	[smem:$0x3FB4] =	sst s6  }
0xf: {  	[smem:$0x3FB5] =	sst s7  }
0x10: {  	[smem:$0x3FB6] =	sst s8  }
0x11: {  	[smem:$0x3FB7] =	sst s9;
	s0 =	simm.s32 @!p0 $0x0  }
0x12: {  	s1 =	sld [smem:$0x3F9D];
	s0 =	simm.s32 @p0 $0x1  }
0x13: {  	[smem:$0x3FB8] =	sst s0;
	s0 =	simm.s32 @!p1 $0x0  }
0x14: {  	s2 =	sld [smem:$0x3F9C];
	s0 =	simm.s32 @p1 $0x1  }
0x15: {  	[smem:$0x3FB9] =	sst s0;
	s0 =	simm.s32 @!p2 $0x0  }
0x16: {  	s3 =	sld [smem:$0x3FDB];
	s0 =	simm.s32 @p2 $0x1  }
0x17: {  	s4 =	simm.s32 $0x1BF5;
	[smem:$0x3FBB] =	sst s0  }
0x18: {  	s0 =	sld [smem:$0x3F9E];
	_ =	swait.ge [sflag:s4], $0x0  }
0x19: {  	s7 =	sld [smem:$0x3F9F]  }
0x1a: {  	s8 =	sadd.s32 $0xFFFFE003, lr  }
0x1b: {  	s9 =	sadd.s32 $0xFFFFFEF7, lr;
	s5 =	simm.s32 $0xFFFFFFFF;
	p2 =	slt.u32 s8, $0xFFFFF086  }
0x1c: {  	p1 =	slt.u32 s9, $0xF7A;
	s5 =	simm.s32 @!p2 $0x0  }
0x1d: {  	s5 =	simm.s32 @p1 $0x1;
	p0 =	seq.s32 s7, s2  }
0x1e: {  	s7 =	smul.u32 @!p0 $0xF7A, s2;
	p2 =	seq.s32 @!p0 s5, $0x0  }
0x1f: {  	s9 =	smul.u32 $0xF7A, s1;
	s8 =	simm.s32 @!p0 $0x1BF5;
	p2 =	por !p2, p0  }
0x20: {  	[sflag:s8] =	ssyncset.s32 @!p0 $0xFFFFF086;
	s6 =	sadd.s32 @!p0 s3, s7;
	s7 =	simm.s32 @!p0 $0x108  }
0x21: {  	s3 =	sadd.s32 s3, s9;
	s6 =	sadd.s32 @!p0 $0x88, s6;
	s7 =	simm.s32 @p2 $0x1082  }
0x22: {  	[simem:s7], [sflag:s8] =	dma.local @!p0 [hbm:s6], $0xF7A  }
0x23: {  	s9 =	sor.u32 $0xD0000000, s2;
	s6 =	simm.s32 $0x108;
	_ =	swait.ge @!p0 [sflag:s8], $0x0  }
0x24: {  	s3 =	sadd.s32 $0x88, s3;
	s6 =	simm.s32 @!p1 $0x1082;
	[sflag:s4] =	ssyncset.s32 $0xFFFFF086  }
0x25: {  	[simem:s6], [sflag:s4] =	dma.local [hbm:s3], $0xF7A  }
0x26: {  	[smem:$0x3F9F] =	sst s1;
	(tag) =	ssettag s2;
	_ =	strace s9  }
0x27: {  	s1 =	sld [smem:$0x3FAF]  }
0x28: {  	s2 =	sld [smem:$0x3FB0]  }
0x29: {  	s4 =	sld [smem:$0x3FB2]  }
0x2a: {  	p0 =	seq.s32 s5, $0x0;
	s5 =	sld [smem:$0x3FB3]  }
0x2b: {  	s6 =	sld [smem:$0x3FB4]  }
0x2c: {  	s7 =	sld [smem:$0x3FB5]  }
0x2d: {  	s3 =	simm.s32 $0x108;
	s8 =	sld [smem:$0x3FB6]  }
0x2e: {  	s3 =	simm.s32 @!p0 $0x1082;
	s9 =	sld [smem:$0x3FB7]  }
0x2f: {  	lr =	sadd.s32 s0, s3;
	s0 =	sld [smem:$0x3FAE]  }
0x30: {  	s3 =	sld [smem:$0x3FB1]  }
0x31: {  	[smem:$0x3FBA] =	sst s10  }
0x32: {  	s10 =	sld [smem:$0x3FB8];
	_ =	sdelay $0x3  }
0x33: {  	p0 =	seq.s32 s10, $0x1;
	s10 =	sld [smem:$0x3FBA];
	_ =	sdelay $0x3  }
0x34: {  	[smem:$0x3FBA] =	sst s10  }
0x35: {  	s10 =	sld [smem:$0x3FB9];
	_ =	sdelay $0x3  }
0x36: {  	p1 =	seq.s32 s10, $0x1;
	s10 =	sld [smem:$0x3FBA];
	_ =	sdelay $0x3  }
0x37: {  	[smem:$0x3FBA] =	sst s10  }
0x38: {  	s10 =	sld [smem:$0x3FBB]  }
0x39: {  	_ = 	snop;
	(pc) =	sbr.ind lr, $3  }
0x3a: {  	_ = 	snop  }
0x3b: {  	_ = 	snop  }
0x3c: {  	p2 =	seq.s32 s10, $0x1;
	s10 =	sld [smem:$0x3FBA]  }
0x3d: {  	_ =	shalt  }
0x3e: {  	_ =	shalt  }
0x3f: {  	_ =	shalt  }
0x40: {  	_ =	shalt  }
0x41: {  	_ =	shalt  }
0x42: {  	_ =	shalt  }
0x43: {  	_ =	shalt  }
0x44: {  	_ =	shalt  }
0x45: {  	_ =	shalt  }
0x46: {  	_ =	shalt  }
0x47: {  	_ =	shalt  }
0x48: {  	_ =	shalt  }
0x49: {  	_ =	shalt  }
0x4a: {  	_ =	shalt  }
0x4b: {  	_ =	shalt  }
0x4c: {  	_ =	shalt  }
0x4d: {  	_ =	shalt  }
0x4e: {  	_ =	shalt  }
0x4f: {  	_ =	shalt  }
0x50: {  	_ =	shalt  }
0x51: {  	_ =	shalt  }
0x52: {  	_ =	shalt  }
0x53: {  	_ =	shalt  }
0x54: {  	_ =	shalt  }
0x55: {  	_ =	shalt  }
0x56: {  	_ =	shalt  }
0x57: {  	_ =	shalt  }
0x58: {  	_ =	shalt  }
0x59: {  	_ =	shalt  }
0x5a: {  	_ =	shalt  }
0x5b: {  	_ =	shalt  }
0x5c: {  	_ =	shalt  }
0x5d: {  	_ =	shalt  }
0x5e: {  	_ =	shalt  }
0x5f: {  	_ =	shalt  }
0x60: {  	_ =	shalt  }
0x61: {  	_ =	shalt  }
0x62: {  	_ =	shalt  }
0x63: {  	_ =	shalt  }
0x64: {  	_ =	shalt  }
0x65: {  	_ =	shalt  }
0x66: {  	_ =	shalt  }
0x67: {  	_ =	shalt  }
0x68: {  	_ =	shalt  }
0x69: {  	_ =	shalt  }
0x6a: {  	_ =	shalt  }
0x6b: {  	_ =	shalt  }
0x6c: {  	_ =	shalt  }
0x6d: {  	_ =	shalt  }
0x6e: {  	_ =	shalt  }
0x6f: {  	_ =	shalt  }
0x70: {  	_ =	shalt  }
0x71: {  	_ =	shalt  }
0x72: {  	_ =	shalt  }
0x73: {  	_ =	shalt  }
0x74: {  	_ =	shalt  }
0x75: {  	_ =	shalt  }
0x76: {  	_ =	shalt  }
0x77: {  	_ =	shalt  }
0x78: {  	_ =	shalt  }
0x79: {  	_ =	shalt  }
0x7a: {  	_ =	shalt  }
0x7b: {  	_ =	shalt  }
0x7c: {  	_ =	shalt  }
0x7d: {  	_ =	shalt  }
0x7e: {  	_ =	shalt  }
0x7f: {  	_ =	shalt  }
0x80: {  	_ =	shalt  }
0x81: {  	_ =	shalt  }
0x82: {  	_ =	shalt  }
0x83: {  	_ =	shalt  }
0x84: {  	_ =	shalt  }
0x85: {  	_ =	shalt  }
0x86: {  	_ =	shalt  }
0x87: {  	_ =	shalt  }
.Lfunc_end0:
.L_simem_size_0:
called_computation_lowered:
.L_overlay_start_0:
0x88: {  	s2 =	sld [smem:$0x3FD9]  }
0x89: {  	s3 =	sld [smem:$0x3FFE];
	_ =	sdelay $0x1  }
0x8a: {  	s1 =	srdreg.scid  }
0x8b: {  	s0 =	sand.u32 $0x1, s1  }
0x8c: {  	s17 =	sshll.u32 s0, $0xA;
	s2 =	sadd.s32 s3, s2  }
0x8d: {  	s2 =	sadd.s32 s2, s17  }
0x8e: {  	[smem:$0x3FC6] =	sst s2  }
0x8f: {  	_ = 	snop  }
0x90: {  	s2 =	sld [smem:$0x3FC8];
	(tm) =	ssettm $0x1  }
0x91: {  	s18 =	sld [smem:$0x3FFB];
	_ =	sdelay $0x3  }
0x92: {  	_ =	strace s18  }
0x93: {  	s3 =	sld [smem:$0x3FFC];
	_ =	sdelay $0x3  }
0x94: {  	_ =	strace s3  }
0x95: {  	s3 =	sld [smem:$0x3FFD];
	_ =	sdelay $0x3  }
0x96: {  	_ =	strace s3  }
0x97: {  	_ =	strace $0x8FFFFFFF  }
0x98: {  	s19 =	sld [smem:$0x3FDB];
	_ =	sdelay $0x1  }
0x99: {  	s4 =	simm.s32 $_scs_section_size  }
0x9a: {  	s5 =	simm.s32 $_size__tile_overlayer_lowered;
	s6 =	simm.s32 $_tile_overlayer_lowered  }
0x9b: {  	s22 =	simm.s32 $0x1BFF;
	s21 =	sshll.u32 s6, $0x1;
	s3 =	sadd.s32 s4, s19  }
0x9c: {  	s7 =	simm.s32 $0x0;
	s20 =	sshll.u32 s5, $0x1;
	s5 =	sadd.s32 s21, s3  }
0x9d: {  	[timem:s7], [sflag:s22] =	dma.local [hbm:s5], s20  }
0x9e: {  	_ =	swait.ge [sflag:s22], s20  }
0x9f: {  	s4 =	ssub.s32 $0x0, s20;
	[sflag:s22] =	ssyncset.done $0x0  }
0xa0: {  	[sflag:s22] =	ssyncadd.s32 s4;
	_ =	sdelay $0x1  }
0xa1: {  	s23 =	simm.s32 $0x1B8B  }
0xa2: {  	_ =	swait.ge [sflag:s23], $0x1  }
0xa3: {  	[sflag:s23] =	ssyncset.done $0x0  }
0xa4: {  	s25 =	simm.s32 $0x1B8E;
	s24 =	sld [smem:$0x3FFE];
	[sflag:s23] =	ssyncadd.s32 $0xFFFFFFFF  }
0xa5: {  	s26 =	simm.s32 $execute0_lowered;
	[smem:$0x3FD2] =	sst s25  }
0xa6: {  	s5 =	sshll.u32 s26, $0x1;
	_ =	strace $0x80000046;
	[dreg:$0x1] =	wrdreg $0xFFFFFFFF  }
0xa7: {  	s28 =	simm.s32 $_size_execute0_lowered;
	s3 =	sadd.s32 s3, s5;
	[dreg:$0x0] =	wrdreg $0x0  }
0xa8: {  	s5 =	sshll.u32 s28, $0x1;
	[dreg:$0x2] =	wrdreg s3  }
0xa9: {  	[dreg:$0x3] =	wrdreg s5  }
0xaa: {  	[dreg:$0x4] =	wrdreg $0xC0  }
0xab: {  	_ =	task [dreg:s7], $0x5FFFF  }
0xac: {  	[dreg:$0x1] =	wrdreg $0xFFFFFFFF  }
0xad: {  	[dreg:$0x0] =	wrdreg $0x60  }
0xae: {  	[dreg:$0x2] =	wrdreg s24  }
0xaf: {  	[dreg:$0x3] =	wrdreg s2  }
0xb0: {  	[dreg:$0x4] =	wrdreg $0x4F000  }
0xb1: {  	[dreg:$0x5] =	wrdreg $0x9  }
0xb2: {  	_ =	task.clear_ibuf [dreg:s7], $0x6FFFF;
	_ =	strace $0x90000046  }
0xb3: {  	s29 =	simm.s32 $0x9;
	_ =	strace $0x80000048  }
0xb4: {  	_ =	swait.ge [sflag:s29], $0x1  }
0xb5: {  	[sflag:s29] =	ssyncadd.s32 $0xFFFFFFFF  }
0xb6: {  	_ =	strace $0x90000048  }
0xb7: {  	_ =	sfence  }
0xb8: {  	s30 =	sld [smem:$0x0];
	_ =	sdelay $0x2  }
0xb9: {  	s31 =	sshll.u32 s1, $0xD;
	s1 =	sshrl.u32 s1, $0x2  }
0xba: {  	s3 =	sand.u32 $0x4000, s31;
	s1 =	sadd.s32 s1, s30  }
0xbb: {  	s0 =	sor.u32 s3, s0;
	s1 =	sshll.u32 s1, $0x11  }
0xbc: {  	s0 =	sor.u32 s1, s0  }
0xbd: {  	s0 =	sadd.s32 $0x8F2B, s0  }
0xbe: {  	[sflag:s0] =	ssyncadd.remote.s32 $0x1  }
0xbf: {  	_ =	sfence.sel $0xFFFF  }
0xc0: {  	[dreg:$0x0] =	wrdreg $0xFFFFFFFF;
	(pc) =	sbr.abs _section_cstart, $3  }
0xc1: {  	[dreg:$0x1] =	wrdreg $0xFFFFFFFF  }
0xc2: {  	_ =	task.clear_ibuf [dreg:s7], $0x2FFFF;
	_ =	strace $0x9FFFFFFF  }
0xc3: {  	(tm) =	ssettm $0x7FFFFFFF  }
tec
execute0_lowered:
.L_overlay_start_1:
0x0: {  	(tag) =	ssettag $0x1  }
0x1: {  	s5 =	rddreg [dreg:$0x0]  }
0x2: {  	s4 =	rddreg [dreg:$0x1];
	s1 =	srdreg.scid  }
0x3: {  	s0 =	stileid.u32;
	s2 =	rddreg [dreg:$0x2];
	s3 =	simm.s32 $0x0  }
0x4: {  	s12 =	simm.s32 $0x80;
	s13 =	simm.s32 $0x4E80;
	s14 =	simm.s32 $0x1  }
0x5: {  	s16 =	simm.s32 $0x0;
	s6 =	sand.u32 $0x1, s1;
	s1 =	rddreg [dreg:$0x3]  }
0x6: {  	s7 =	smul.u32 $0x280, s0;
	[smem:$0x7FF] =	sst s3;
	s15 =	sshll.u32 s0, $0x6  }
0x7: {  	s8 =	smul.u32 $0x2800, s6;
	s9 =	sshll.u32 s6, $0x4;
	s6 =	ssub.s32 $0x2, s6  }
0x8: {  	_ =	strace $0x80000047;
	s9 =	sor.u32 s0, s9;
	s10 =	sshrl.u32 s6, $0x1  }
0x9: {  	s11 =	sadd.s32 s7, s2;
	s8 =	sadd.s32 s7, s8;
	s9 =	smul.u32 $0x9D00, s9  }
0xa: {  	s29 =	sshrl.u32 s7, $0x3;
	s10 =	ssub.s32 s6, s10;
	s8 =	sshrl.u32 s8, $0x3  }
0xb: {  	s4 =	sadd.s32 s4, s29;
	s8 =	sadd.s32 s8, s5;
	s30 =	sshrl.u32 s9, $0x3  }
0xc: {  	s9 =	sshrl.u32 s11, $0x3;
	s11 =	simm.s32 $0x2;
	s31 =	sadd.s32 s5, s30  }
0xd: {  	s5 =	sor.u32 $0x1C02, s15;
	s7 =	sadd.s32 $0x27800, s8;
	s8 =	smax.u32 s10, $0x1  }
0xe: {  	v0 =	vimm.f32 $1.000000000e+00;
	s10 =	simm.s32 $0x3;
	s15 =	sor.u32 $0x1C03, s15;
	s6 =	sadd.s32 $0xDD0, s31  }
.LBB2_1:
0xf: {  	[spmem:s9], [sflag:s5] =	dma.local [hbm:s4], $0x50  }
0x10: {  	[tilespmem:s3], [sflag:$0x3] =	stream.linear.gather [hbm4b:s6+s3], $0x4E80, $0x38;
	[tilespmem:$0x5180] =	vst v63  }
0x11: {  	_ =	swait.ge [sflag:s10], $0x4E80  }
0x12: {  	[sflag:s10] =	ssyncset.done $0x0  }
0x13: {  	[sflag:s10] =	ssyncadd.s32 $0xFFFFB180  }
0x14: {  	[tilespmem:$0x4E80] =	vst v0  }
0x15: {  	[tilespmem:$0x4E90] =	vst v0  }
0x16: {  	[tilespmem:$0x4EA0] =	vst v0  }
0x17: {  	[tilespmem:$0x4EB0] =	vst v0  }
0x18: {  	[tilespmem:$0x4EC0] =	vst v0  }
0x19: {  	[tilespmem:$0x4ED0] =	vst v0  }
0x1a: {  	[tilespmem:$0x4EE0] =	vst v0  }
0x1b: {  	[tilespmem:$0x4EF0] =	vst v0  }
0x1c: {  	_ =	swait.ge [sflag:s11], $0x50  }
0x1d: {  	[sflag:s11] =	ssyncset.done $0x0  }
0x1e: {  	p0 =	por $0x1, $0x1;
	[sflag:s11] =	ssyncadd.s32 $0xFFFFFFB0  }
0x1f: {  	s19 =	simm.s32 @!p0 $0x1;
	[bflag:$0x0] =	sbarrier.arrive $0xFFFF  }
0x20: {  	[spmem:s2] =	stream.indirect.scatter.add.f32 [tilespmem:s13], [sflag:$0x1], $0x1, s3, s12, $0xb8;
	[tilespmem:$0x5180] =	vst v63  }
0x21: {  	_ =	swait.ge @!p0 [sflag:s19], $0x80  }
0x22: {  	s17 =	simm.s32 $0x1;
	s18 =	simm.s32 $0x0;
	[sflag:s19] =	ssyncset.done @!p0 $0x0  }
.LBB2_2:
0x23: {  	[sflag:s19] =	ssyncadd.s32 @!p0 $0xFFFFFF80  }
0x24: {  	s18 =	sadd.s32 $0x80, s18;
	s19 =	smov.u32 s17;
	s17 =	sadd.s32 $0x1, s17  }
0x25: {  	p1 =	sne.s32 s17, $0x9D  }
0x26: {  	[spmem:s2] =	stream.indirect.scatter.add.f32 [tilespmem:s13], [sflag:$0x1], $0x1, s18, s12, $0xb8;
	[tilespmem:$0x5180] =	vst v63  }
.Ltmp0:
0x27: {  	_ = 	snop;
	(pc) =	sbr.rel @p1 .LBB2_2-.Ltmp0, $4  }
0x28: {  	p0 =	slt.u32 s19, $0x8  }
0x29: {  	s19 =	simm.s32 @!p0 $0x1  }
0x2a: {  	_ =	swait.ge @!p0 [sflag:s19], $0x80  }
0x2b: {  	[sflag:s19] =	ssyncset.done @!p0 $0x0  }
0x2c: {  	[sflag:s19] =	ssyncadd.s32 @!p0 $0xFFFFFF80  }
0x2d: {  	_ =	swait.ge [sflag:s14], $0x80  }
0x2e: {  	[sflag:s14] =	ssyncset.done $0x0  }
0x2f: {  	[sflag:s14] =	ssyncadd.s32 $0xFFFFFF80  }
0x30: {  	_ =	swait.ge [sflag:s14], $0x80  }
0x31: {  	[sflag:s14] =	ssyncset.done $0x0  }
0x32: {  	[sflag:s14] =	ssyncadd.s32 $0xFFFFFF80  }
0x33: {  	_ =	swait.ge [sflag:s14], $0x80  }
0x34: {  	[sflag:s14] =	ssyncset.done $0x0  }
0x35: {  	[sflag:s14] =	ssyncadd.s32 $0xFFFFFF80  }
0x36: {  	_ =	swait.ge [sflag:s14], $0x80  }
0x37: {  	[sflag:s14] =	ssyncset.done $0x0  }
0x38: {  	[sflag:s14] =	ssyncadd.s32 $0xFFFFFF80  }
0x39: {  	_ =	swait.ge [sflag:s14], $0x80  }
0x3a: {  	[sflag:s14] =	ssyncset.done $0x0  }
0x3b: {  	[sflag:s14] =	ssyncadd.s32 $0xFFFFFF80  }
0x3c: {  	_ =	swait.ge [sflag:s14], $0x80  }
0x3d: {  	[sflag:s14] =	ssyncset.done $0x0  }
0x3e: {  	[sflag:s14] =	ssyncadd.s32 $0xFFFFFF80  }
0x3f: {  	_ =	swait.ge [sflag:s14], $0x80  }
0x40: {  	[sflag:s14] =	ssyncset.done $0x0  }
0x41: {  	[sflag:s14] =	ssyncadd.s32 $0xFFFFFF80  }
0x42: {  	_ =	swait.ge [sflag:s14], $0x80  }
0x43: {  	s16 =	sadd.s32 $0x1, s16;
	[sflag:s14] =	ssyncset.done $0x0  }
0x44: {  	p0 =	sne.s32 s16, s8;
	[sflag:s14] =	ssyncadd.s32 $0xFFFFFF80  }
.Ltmp1:
0x45: {  	[bflag:$0x0] =	sbarrier.arrive $0xFFFF;
	(pc) =	sbr.rel @p0 .LBB2_1-.Ltmp1, $4  }
0x46: {  	[hbm:s7], [sflag:s15] =	dma.local [spmem:s9], $0x50  }
0x47: {  	_ =	swait.ge [sflag:s10], $0x50  }
0x48: {  	[sflag:s10] =	ssyncset.done $0x0  }
0x49: {  	[sflag:s10] =	ssyncadd.s32 $0xFFFFFFB0  }
0x4a: {  	_ =	sfence.sel $0x180000  }
0x4b: {  	[bflag:$0x0] =	sbarrier.arrive $0xFFFF  }
0x4c: {  	p0 =	sne.s32 s0, $0x0;
	_ =	strace $0x90000047  }
0x4d: {  	s0 =	sadd.s32 @!p0 $0x100000, s1;
	[bflag:$0x2] =	sbarrier.arrive $0xFFFF  }
0x4e: {  	[sflag:s0] =	ssyncadd.tile.s32 @!p0 $0x1;
	_ =	shalt  }
.Lfunc_end2:
_tile_overlayer_lowered:
.L_overlay_start_2:
0x4f: {  	(tag) =	ssettag $0x2  }
0x50: {  	s0 =	rddreg [dreg:$0x0];
	s2 =	stileid.u32  }
0x51: {  	s1 =	rddreg [dreg:$0x1];
	p0 =	sne.s32 s2, $0x0  }
0x52: {  	s3 =	rddreg [dreg:$0x2];
	[bflag:$0x3] =	sbarrier.arrive $0xFFFF;
	s2 =	simm.s32 @!p0 $0x1C03  }
0x53: {  	[timem:s3], [sflag:s2] =	dma.local @!p0 [hbm:s0], s1  }
0x54: {  	s0 =	simm.s32 @!p0 $0x3  }
0x55: {  	_ =	swait.ge @!p0 [sflag:s0], s1  }
0x56: {  	s1 =	ssub.s32 @!p0 $0x0, s1;
	[sflag:s0] =	ssyncset.done @!p0 $0x0  }
0x57: {  	[sflag:s0] =	ssyncadd.s32 @!p0 s1  }
0x58: {  	[bflag:$0x3] =	sbarrier.arrive $0xFFFF  }
0x59: {  	_ =	shalt  }

</sc_bundles>
